<compile_context>
chip_gen: v7x
topology: tpu7x:2x2x1
jax: 0.10.2.dev20260603
libtpu: 0.0.44.dev20260713+nightly
codegen_flags: <defaults>
</compile_context>

<pallas_src>
import functools

import numpy as np
import jax
import jax.numpy as jnp
from jax import lax
from jax.experimental import pallas as pl
from jax.experimental.pallas import tpu as pltpu
from jax.experimental.pallas import tpu_sc as plsc

_N = 16
_D = 512
_TOKENS = 1376
_TOKENS_PAD = 1536
_GATHERS = _TOKENS_PAD * 4

_NW = 32
_ROWS_PER_W = _GATHERS // _NW
_GATHER_SPLIT = 2
_ROWS_PER_DMA = _ROWS_PER_W // _GATHER_SPLIT


def _build_static_layout():
    spread = (np.arange(_TOKENS_PAD * 4, dtype=np.int64).reshape(4, _TOKENS_PAD).T
              % 5200).astype(np.int32)
    src = spread.copy()
    keep = np.zeros((_TOKENS_PAD, 4), np.float32)
    img = np.zeros((_TOKENS_PAD,), np.float32)
    off = 0
    t = 0
    for i in range(_N):
        h, w = 2 * i, 2 * i + 1
        img[t] = 1.0
        t += 1
        for r in range(h // 2):
            for c in range((w + 1) // 2):
                for k, (dr, dc) in enumerate(((0, 0), (0, 1), (1, 0), (1, 1))):
                    rr, cc = 2 * r + dr, 2 * c + dc
                    if cc < w:
                        src[t, k] = off + rr * w + cc
                        keep[t, k] = 1.0
                t += 1
        off += h * w
    assert t == _TOKENS
    gm_src = src.T.copy().reshape(_NW, _GATHER_SPLIT, _ROWS_PER_DMA)
    gm_keep = keep.T.copy().reshape(_GATHERS, 1)
    return gm_src, gm_keep, img.reshape(_TOKENS_PAD, 1)


_GATHER_IDX, _ZMASK, _IMG_IND = _build_static_layout()


def _sc_gather(embeds: jax.Array, idx: jax.Array) -> jax.Array:
    mesh = plsc.VectorSubcoreMesh(core_axis_name="c", subcore_axis_name="s")

    @functools.partial(
        pl.kernel,
        mesh=mesh,
        out_type=jax.ShapeDtypeStruct((_GATHERS, _D), jnp.float32),
        compiler_params=pltpu.CompilerParams(use_tc_tiling_on_sc=True),
        scratch_types=[
            pltpu.VMEM((_GATHER_SPLIT, _ROWS_PER_DMA), jnp.int32),
            pltpu.VMEM((_ROWS_PER_W, _D), jnp.float32),
            pltpu.SemaphoreType.DMA,
        ],
    )
    def k(embeds_hbm, idx_hbm, out_hbm, idx_v, rows_v, sem):
        wid = lax.axis_index("s") * 2 + lax.axis_index("c")
        pltpu.sync_copy(idx_hbm.at[wid], idx_v)
        copies = []
        for j in range(_GATHER_SPLIT):
            copies.append(pltpu.async_copy(
                embeds_hbm.at[idx_v.at[j]],
                rows_v.at[pl.ds(j * _ROWS_PER_DMA, _ROWS_PER_DMA)],
                sem))
        for c in copies:
            c.wait()
        pltpu.sync_copy(rows_v, out_hbm.at[pl.ds(wid * _ROWS_PER_W, _ROWS_PER_W)])

    return k(embeds, idx)


def _cast_body(w1_ref, w2_ref, o1_ref, o2_ref):
    o1_ref[...] = w1_ref[...].astype(jnp.bfloat16)
    o2_ref[...] = w2_ref[...].astype(jnp.bfloat16)


def _cast_weights(W1, W2):
    blk = lambda: pl.BlockSpec((512, 2048), lambda i: (i, 0))
    return pl.pallas_call(
        _cast_body,
        grid=(4,),
        in_specs=[blk(), blk()],
        out_specs=[blk(), blk()],
        out_shape=(jax.ShapeDtypeStruct((2048, 2048), jnp.bfloat16),
                   jax.ShapeDtypeStruct((2048, 2048), jnp.bfloat16)),
    )(W1, W2)


_BM = 512
_NBLK = _TOKENS_PAD // _BM


def _mlp_body(e0_ref, e1_ref, e2_ref, e3_ref, z0_ref, z1_ref, z2_ref, z3_ref,
              img_ref, imge_ref, w1_ref, b1_ref, w2_ref, b2_ref, out_ref,
              himg_ref):
    @pl.when(pl.program_id(0) == 0)
    def _():
        himg_ref[...] = lax.dot_general(
            imge_ref[...].astype(jnp.bfloat16), w1_ref[...],
            (((1,), (1,)), ((), ())), preferred_element_type=jnp.float32)

    z_refs = (z0_ref, z1_ref, z2_ref, z3_ref)
    h = None
    for k, e_ref in enumerate((e0_ref, e1_ref, e2_ref, e3_ref)):
        g = e_ref[...].astype(jnp.bfloat16) * z_refs[k][...]
        d = lax.dot_general(g, w1_ref[:, k * _D:(k + 1) * _D],
                            (((1,), (1,)), ((), ())),
                            preferred_element_type=jnp.float32)
        h = d if h is None else h + d
    h = h + img_ref[...] * himg_ref[...]
    h = h + b1_ref[...]
    h = 0.5 * h * (1.0 + lax.erf(h * np.float32(0.7071067811865476)))
    out = lax.dot_general(h.astype(jnp.bfloat16), w2_ref[...],
                          (((1,), (1,)), ((), ())),
                          preferred_element_type=jnp.float32)
    out_ref[...] = out + b2_ref[...]


def _tc_mlp(e4: jax.Array, image_embedding, W1bf, b1, W2bf, b2) -> jax.Array:
    espec = lambda k: pl.BlockSpec((_BM, _D), lambda i, _k=k: (_k * _NBLK + i, 0))
    zspec = lambda k: pl.BlockSpec((_BM, 1), lambda i, _k=k: (_k * _NBLK + i, 0))
    full = lambda r, c: pl.BlockSpec((r, c), lambda i: (0, 0))
    return pl.pallas_call(
        _mlp_body,
        grid=(_NBLK,),
        in_specs=[
            espec(0), espec(1), espec(2), espec(3),
            zspec(0), zspec(1), zspec(2), zspec(3),
            pl.BlockSpec((_BM, 1), lambda i: (i, 0)),
            full(1, 2048),
            full(2048, 2048),
            full(1, 2048),
            full(2048, 2048),
            full(1, 2048),
        ],
        out_specs=pl.BlockSpec((_BM, 2048), lambda i: (i, 0)),
        out_shape=jax.ShapeDtypeStruct((_TOKENS, 2048), jnp.float32),
        scratch_shapes=[pltpu.VMEM((1, 2048), jnp.float32)],
    )(e4, e4, e4, e4,
      jnp.asarray(_ZMASK, jnp.bfloat16), jnp.asarray(_ZMASK, jnp.bfloat16),
      jnp.asarray(_ZMASK, jnp.bfloat16), jnp.asarray(_ZMASK, jnp.bfloat16),
      jnp.asarray(_IMG_IND, jnp.float32),
      image_embedding,
      W1bf, b1.reshape(1, 2048),
      W2bf, b2.reshape(1, 2048))


def kernel(input_embeds, grid_sizes, image_embedding, W1, b1, W2, b2):
    del grid_sizes
    idx = jnp.asarray(_GATHER_IDX)
    e4 = _sc_gather(input_embeds, idx)
    W1bf, W2bf = _cast_weights(W1, W2)
    return _tc_mlp(e4, image_embedding, W1bf, b1, W2bf, b2)

# --- scband reference (transcript-rebuilt; emitter-appended) ---
"""Pipeline reference for scband-perceiver-projection-89343909692083 (READ-ONLY COPY).

The authoritative reference and input builder live on the scoring server;
editing this copy changes nothing except your own understanding.
"""

import jax, jax.numpy as jnp
import numpy as np

IN_DIM = 512
OUT_DIM = 2048

def setup_inputs(seed: int = 0):
    key = jax.random.key(seed)
    ks = jax.random.split(key, 4)
    input_embeds = jax.random.normal(ks[0], (5200, IN_DIM), dtype=jnp.float32)
    # grid_sizes: arange 0..31 reshaped to (16,2); rows (h,w)=(2i,2i+1); sum of h*w = 5200
    grid_sizes = jnp.arange(32).reshape(16, 2)
    image_embedding = jax.random.normal(ks[1], (1, 4 * IN_DIM), dtype=jnp.float32) * 0.02
    W1 = jax.random.normal(ks[2], (OUT_DIM, 4 * IN_DIM), dtype=jnp.float32) * 0.02
    b1 = jnp.zeros((OUT_DIM,), dtype=jnp.float32)
    W2 = jax.random.normal(ks[3], (OUT_DIM, OUT_DIM), dtype=jnp.float32) * 0.02
    b2 = jnp.zeros((OUT_DIM,), dtype=jnp.float32)
    return {"input_embeds": input_embeds, "grid_sizes": grid_sizes,
            "image_embedding": image_embedding, "W1": W1, "b1": b1, "W2": W2, "b2": b2}

def reference(input_embeds, grid_sizes, image_embedding, W1, b1, W2, b2):
    d = input_embeds.shape[-1]
    n = grid_sizes.shape[0]
    gs_static = np.arange(2 * n).reshape(n, 2)
    lens_t = grid_sizes[:, 0] * grid_sizes[:, 1]
    offsets_t = jnp.concatenate([jnp.zeros((1,), dtype=lens_t.dtype), jnp.cumsum(lens_t)])
    embeds = []
    for i in range(n):
        h, w = int(gs_static[i, 0]), int(gs_static[i, 1])
        start = offsets_t[i]
        x = jax.lax.dynamic_slice(input_embeds, (start, jnp.zeros((), dtype=start.dtype)), (h * w, d)).reshape(h, w, d)
        if (h % 2) or (w % 2):
            x = jnp.pad(x, ((0, h % 2), (0, w % 2), (0, 0)))
        H, W = x.shape[0], x.shape[1]
        x = x.reshape(H // 2, 2, W // 2, 2, d).transpose(0, 2, 1, 3, 4).reshape((H // 2) * (W // 2), 4 * d)
        embeds.append(image_embedding)
        embeds.append(x)
    e = jnp.concatenate(embeds, axis=0)
    h1 = jax.nn.gelu(e @ W1.T + b1, approximate=False)
    out = h1 @ W2.T + b2
    return out

if __name__ == "__main__":
    import jax
    _d = setup_inputs()
    print(jax.jit(kernel)(*tuple(_d.values())))

</pallas_src>

<mosaic_0001>
#map = affine_map<(d0, d1) -> (0, 0)>
#map1 = affine_map<(d0, d1) -> (0, 0, 0)>
module attributes {stable_mosaic.version = 14 : i64} {
  func.func @k(%arg0: i32, %arg1: i32, %arg2: memref<5200x512xf32, #tpu.memory_space<hbm>>, %arg3: memref<32x2x96xi32, #tpu.memory_space<hbm>>, %arg4: memref<6144x512xf32, #tpu.memory_space<hbm>>, %arg5: memref<2x96xi32, #tpu.memory_space<vmem>>, %arg6: memref<192x512xf32, #tpu.memory_space<vmem>>, %arg7: memref<!tpu.dma_semaphore, #tpu.memory_space<semaphore_mem>>) attributes {dimension_semantics = [#tpu.dimension_semantics<core_parallel>, #tpu.dimension_semantics<subcore_parallel>], iteration_bounds = array<i64: 2, 16>, scalar_prefetch = 0 : i64, scratch_operands = 3 : i64, tpu.core_type = #tpu.core_type<sc_vector_subcore>, window_params = [{transform_indices = #map}, {transform_indices = #map1}, {transform_indices = #map}]} {
    %mul3A = arith.constant 2 : i32
    %mul3A_0 = arith.muli %arg1, %mul3A : i32
    %add3A = arith.addi %mul3A_0, %arg0 : i32
    "tpu.region"() ({
      %run_scoped3A = tpu.sem_alloc : memref<!tpu.dma_semaphore, #tpu.memory_space<semaphore_mem>>
      %dma_start3A_41 = arith.constant 0 : i32
      %dma_start3A_42 = arith.constant 0 : i32
      %dma_start3A_43 = tpu.memref_slice %arg3[%add3A, %dma_start3A_41, %dma_start3A_42] : memref<32x2x96xi32, #tpu.memory_space<hbm>> -> memref<1x2x96xi32, #tpu.memory_space<hbm>>
      %dma_start3A_44 = tpu.memref_squeeze %dma_start3A_43 : memref<1x2x96xi32, #tpu.memory_space<hbm>> -> memref<2x96xi32, #tpu.memory_space<hbm>>
      %dma_start3A_45 = arith.constant 0 : i32
      %dma_start3A_46 = arith.constant 0 : i32
      %dma_start3A_47 = tpu.memref_slice %arg3[%add3A, %dma_start3A_45, %dma_start3A_46] : memref<32x2x96xi32, #tpu.memory_space<hbm>> -> memref<1x2x96xi32, #tpu.memory_space<hbm>>
      %dma_start3A_48 = tpu.memref_squeeze %dma_start3A_47 : memref<1x2x96xi32, #tpu.memory_space<hbm>> -> memref<2x96xi32, #tpu.memory_space<hbm>>
      tpu.enqueue_dma source(%dma_start3A_48 : memref<2x96xi32, #tpu.memory_space<hbm>>) target(%arg5 : memref<2x96xi32, #tpu.memory_space<vmem>>) target_semaphore(%run_scoped3A : memref<!tpu.dma_semaphore, #tpu.memory_space<semaphore_mem>>)
      %dma_wait3A_49 = arith.constant 0 : i32
      %dma_wait3A_50 = arith.constant 0 : i32
      %dma_wait3A_51 = tpu.memref_slice %arg3[%add3A, %dma_wait3A_49, %dma_wait3A_50] : memref<32x2x96xi32, #tpu.memory_space<hbm>> -> memref<1x2x96xi32, #tpu.memory_space<hbm>>
      %dma_wait3A_52 = tpu.memref_squeeze %dma_wait3A_51 : memref<1x2x96xi32, #tpu.memory_space<hbm>> -> memref<2x96xi32, #tpu.memory_space<hbm>>
      %dma_wait3A_53 = arith.constant 0 : i32
      %dma_wait3A_54 = arith.constant 0 : i32
      %dma_wait3A_55 = tpu.memref_slice %arg3[%add3A, %dma_wait3A_53, %dma_wait3A_54] : memref<32x2x96xi32, #tpu.memory_space<hbm>> -> memref<1x2x96xi32, #tpu.memory_space<hbm>>
      %dma_wait3A_56 = tpu.memref_squeeze %dma_wait3A_55 : memref<1x2x96xi32, #tpu.memory_space<hbm>> -> memref<2x96xi32, #tpu.memory_space<hbm>>
      tpu.wait_dma2 semaphore(%run_scoped3A : memref<!tpu.dma_semaphore, #tpu.memory_space<semaphore_mem>>) src(%dma_wait3A_56 : memref<2x96xi32, #tpu.memory_space<hbm>>) dst(%arg5 : memref<2x96xi32, #tpu.memory_space<vmem>>)
      tpu.yield
    }) : () -> ()
    %dma_start3A = arith.constant 0 : i32
    %dma_start3A_1 = arith.constant 0 : i32
    %dma_start3A_2 = arith.constant 0 : i32
    %dma_start3A_3 = tpu.memref_slice %arg6[%dma_start3A_1, %dma_start3A_2] : memref<192x512xf32, #tpu.memory_space<vmem>> -> memref<96x512xf32, #tpu.memory_space<vmem>>
    %dma_start3A_4 = arith.constant 0 : i32
    %dma_start3A_5 = tpu.memref_slice %arg5[%dma_start3A, %dma_start3A_4] : memref<2x96xi32, #tpu.memory_space<vmem>> -> memref<1x96xi32, #tpu.memory_space<vmem>>
    %dma_start3A_6 = tpu.memref_squeeze %dma_start3A_5 : memref<1x96xi32, #tpu.memory_space<vmem>> -> memref<96xi32, #tpu.memory_space<vmem>>
    %dma_start3A_7 = arith.constant 0 : i32
    %dma_start3A_8 = arith.constant 0 : i32
    %dma_start3A_9 = tpu.memref_slice %arg2[%dma_start3A_7, %dma_start3A_8] : memref<5200x512xf32, #tpu.memory_space<hbm>> -> memref<5200x512xf32, #tpu.memory_space<hbm>>
    tpu.enqueue_indirect_dma source(%dma_start3A_9 : memref<5200x512xf32, #tpu.memory_space<hbm>>) target(%dma_start3A_3 : memref<96x512xf32, #tpu.memory_space<vmem>>) offsets(%dma_start3A_6 : memref<96xi32, #tpu.memory_space<vmem>>) semaphore(%arg7 : memref<!tpu.dma_semaphore, #tpu.memory_space<semaphore_mem>>)
    %dma_start3A_10 = arith.constant 1 : i32
    %dma_start3A_11 = arith.constant 96 : i32
    %dma_start3A_12 = arith.constant 0 : i32
    %dma_start3A_13 = tpu.memref_slice %arg6[%dma_start3A_11, %dma_start3A_12] : memref<192x512xf32, #tpu.memory_space<vmem>> -> memref<96x512xf32, #tpu.memory_space<vmem>>
    %dma_start3A_14 = arith.constant 0 : i32
    %dma_start3A_15 = tpu.memref_slice %arg5[%dma_start3A_10, %dma_start3A_14] : memref<2x96xi32, #tpu.memory_space<vmem>> -> memref<1x96xi32, #tpu.memory_space<vmem>>
    %dma_start3A_16 = tpu.memref_squeeze %dma_start3A_15 : memref<1x96xi32, #tpu.memory_space<vmem>> -> memref<96xi32, #tpu.memory_space<vmem>>
    %dma_start3A_17 = arith.constant 0 : i32
    %dma_start3A_18 = arith.constant 0 : i32
    %dma_start3A_19 = tpu.memref_slice %arg2[%dma_start3A_17, %dma_start3A_18] : memref<5200x512xf32, #tpu.memory_space<hbm>> -> memref<5200x512xf32, #tpu.memory_space<hbm>>
    tpu.enqueue_indirect_dma source(%dma_start3A_19 : memref<5200x512xf32, #tpu.memory_space<hbm>>) target(%dma_start3A_13 : memref<96x512xf32, #tpu.memory_space<vmem>>) offsets(%dma_start3A_16 : memref<96xi32, #tpu.memory_space<vmem>>) semaphore(%arg7 : memref<!tpu.dma_semaphore, #tpu.memory_space<semaphore_mem>>)
    %dma_wait3A = arith.constant 0 : i32
    %dma_wait3A_20 = arith.constant 0 : i32
    %dma_wait3A_21 = arith.constant 0 : i32
    %dma_wait3A_22 = tpu.memref_slice %arg6[%dma_wait3A_20, %dma_wait3A_21] : memref<192x512xf32, #tpu.memory_space<vmem>> -> memref<96x512xf32, #tpu.memory_space<vmem>>
    %dma_wait3A_23 = arith.constant 0 : i32
    %dma_wait3A_24 = tpu.memref_slice %arg5[%dma_wait3A, %dma_wait3A_23] : memref<2x96xi32, #tpu.memory_space<vmem>> -> memref<1x96xi32, #tpu.memory_space<vmem>>
    %dma_wait3A_25 = tpu.memref_squeeze %dma_wait3A_24 : memref<1x96xi32, #tpu.memory_space<vmem>> -> memref<96xi32, #tpu.memory_space<vmem>>
    %dma_wait3A_26 = arith.constant 0 : i32
    %dma_wait3A_27 = arith.constant 0 : i32
    %dma_wait3A_28 = tpu.memref_slice %arg2[%dma_wait3A_26, %dma_wait3A_27] : memref<5200x512xf32, #tpu.memory_space<hbm>> -> memref<5200x512xf32, #tpu.memory_space<hbm>>
    tpu.wait_indirect_dma semaphore(%arg7 : memref<!tpu.dma_semaphore, #tpu.memory_space<semaphore_mem>>) src(%dma_wait3A_28 : memref<5200x512xf32, #tpu.memory_space<hbm>>) dst(%dma_wait3A_22 : memref<96x512xf32, #tpu.memory_space<vmem>>)
    %dma_wait3A_29 = arith.constant 1 : i32
    %dma_wait3A_30 = arith.constant 96 : i32
    %dma_wait3A_31 = arith.constant 0 : i32
    %dma_wait3A_32 = tpu.memref_slice %arg6[%dma_wait3A_30, %dma_wait3A_31] : memref<192x512xf32, #tpu.memory_space<vmem>> -> memref<96x512xf32, #tpu.memory_space<vmem>>
    %dma_wait3A_33 = arith.constant 0 : i32
    %dma_wait3A_34 = tpu.memref_slice %arg5[%dma_wait3A_29, %dma_wait3A_33] : memref<2x96xi32, #tpu.memory_space<vmem>> -> memref<1x96xi32, #tpu.memory_space<vmem>>
    %dma_wait3A_35 = tpu.memref_squeeze %dma_wait3A_34 : memref<1x96xi32, #tpu.memory_space<vmem>> -> memref<96xi32, #tpu.memory_space<vmem>>
    %dma_wait3A_36 = arith.constant 0 : i32
    %dma_wait3A_37 = arith.constant 0 : i32
    %dma_wait3A_38 = tpu.memref_slice %arg2[%dma_wait3A_36, %dma_wait3A_37] : memref<5200x512xf32, #tpu.memory_space<hbm>> -> memref<5200x512xf32, #tpu.memory_space<hbm>>
    tpu.wait_indirect_dma semaphore(%arg7 : memref<!tpu.dma_semaphore, #tpu.memory_space<semaphore_mem>>) src(%dma_wait3A_38 : memref<5200x512xf32, #tpu.memory_space<hbm>>) dst(%dma_wait3A_32 : memref<96x512xf32, #tpu.memory_space<vmem>>)
    %mul3A_39 = arith.constant 192 : i32
    %mul3A_40 = arith.muli %add3A, %mul3A_39 : i32
    "tpu.region"() ({
      %run_scoped3A = tpu.sem_alloc : memref<!tpu.dma_semaphore, #tpu.memory_space<semaphore_mem>>
      %dma_start3A_41 = arith.constant 0 : i32
      %dma_start3A_42 = tpu.memref_slice %arg4[%mul3A_40, %dma_start3A_41] : memref<6144x512xf32, #tpu.memory_space<hbm>> -> memref<192x512xf32, #tpu.memory_space<hbm>>
      %dma_start3A_43 = arith.constant 0 : i32
      %dma_start3A_44 = tpu.memref_slice %arg4[%mul3A_40, %dma_start3A_43] : memref<6144x512xf32, #tpu.memory_space<hbm>> -> memref<192x512xf32, #tpu.memory_space<hbm>>
      tpu.enqueue_dma source(%arg6 : memref<192x512xf32, #tpu.memory_space<vmem>>) target(%dma_start3A_44 : memref<192x512xf32, #tpu.memory_space<hbm>>) target_semaphore(%run_scoped3A : memref<!tpu.dma_semaphore, #tpu.memory_space<semaphore_mem>>)
      %dma_wait3A_45 = arith.constant 0 : i32
      %dma_wait3A_46 = tpu.memref_slice %arg4[%mul3A_40, %dma_wait3A_45] : memref<6144x512xf32, #tpu.memory_space<hbm>> -> memref<192x512xf32, #tpu.memory_space<hbm>>
      %dma_wait3A_47 = arith.constant 0 : i32
      %dma_wait3A_48 = tpu.memref_slice %arg4[%mul3A_40, %dma_wait3A_47] : memref<6144x512xf32, #tpu.memory_space<hbm>> -> memref<192x512xf32, #tpu.memory_space<hbm>>
      tpu.wait_dma2 semaphore(%run_scoped3A : memref<!tpu.dma_semaphore, #tpu.memory_space<semaphore_mem>>) src(%arg6 : memref<192x512xf32, #tpu.memory_space<vmem>>) dst(%dma_wait3A_48 : memref<192x512xf32, #tpu.memory_space<hbm>>)
      tpu.yield
    }) : () -> ()
    return
  }
}

module attributes {stable_mosaic.version = 14 : i64} {
  func.func @_mlp_body(%arg0: i32, %arg1: memref<512x512xf32, #tpu.memory_space<vmem>>, %arg2: memref<512x512xf32, #tpu.memory_space<vmem>>, %arg3: memref<512x512xf32, #tpu.memory_space<vmem>>, %arg4: memref<512x512xf32, #tpu.memory_space<vmem>>, %arg5: memref<512x1xbf16, #tpu.memory_space<vmem>>, %arg6: memref<512x1xbf16, #tpu.memory_space<vmem>>, %arg7: memref<512x1xbf16, #tpu.memory_space<vmem>>, %arg8: memref<512x1xbf16, #tpu.memory_space<vmem>>, %arg9: memref<512x1xf32, #tpu.memory_space<vmem>>, %arg10: memref<1x2048xf32, #tpu.memory_space<vmem>>, %arg11: memref<2048x2048xbf16, #tpu.memory_space<vmem>>, %arg12: memref<1x2048xf32, #tpu.memory_space<vmem>>, %arg13: memref<2048x2048xbf16, #tpu.memory_space<vmem>>, %arg14: memref<1x2048xf32, #tpu.memory_space<vmem>>, %arg15: memref<512x2048xf32, #tpu.memory_space<vmem>>, %arg16: memref<1x2048xf32, #tpu.memory_space<vmem>>) attributes {dimension_semantics = [#tpu.dimension_semantics<arbitrary>], iteration_bounds = array<i64: 3>, scalar_prefetch = 0 : i64, scratch_operands = 1 : i64, tpu.core_type = #tpu.core_type<tc>, window_params = [{transform_indices = @transform_0, window_bounds = array<i64: 512, 512>}, {transform_indices = @transform_1, window_bounds = array<i64: 512, 512>}, {transform_indices = @transform_2, window_bounds = array<i64: 512, 512>}, {transform_indices = @transform_3, window_bounds = array<i64: 512, 512>}, {transform_indices = @transform_4, window_bounds = array<i64: 512, 1>}, {transform_indices = @transform_5, window_bounds = array<i64: 512, 1>}, {transform_indices = @transform_6, window_bounds = array<i64: 512, 1>}, {transform_indices = @transform_7, window_bounds = array<i64: 512, 1>}, {transform_indices = @transform_8, window_bounds = array<i64: 512, 1>}, {pipeline_mode = #tpu.pipeline_mode<synchronous>, transform_indices = @transform_9, window_bounds = array<i64: 1, 2048>}, {pipeline_mode = #tpu.pipeline_mode<synchronous>, transform_indices = @transform_10, window_bounds = array<i64: 2048, 2048>}, {pipeline_mode = #tpu.pipeline_mode<synchronous>, transform_indices = @transform_11, window_bounds = array<i64: 1, 2048>}, {pipeline_mode = #tpu.pipeline_mode<synchronous>, transform_indices = @transform_12, window_bounds = array<i64: 2048, 2048>}, {pipeline_mode = #tpu.pipeline_mode<synchronous>, transform_indices = @transform_13, window_bounds = array<i64: 1, 2048>}, {transform_indices = @transform_14, window_bounds = array<i64: 512, 2048>}]} {
    %eq3A = arith.constant 0 : i32
    %eq3A_0 = arith.cmpi eq, %arg0, %eq3A : i32
    %convert_element_type3A = arith.extui %eq3A_0 : i1 to i32
    %cond3A = arith.constant 0 : i32
    %cond3A_1 = arith.cmpi ne, %convert_element_type3A, %cond3A : i32
    scf.if %cond3A_1 {
      %get3A_95 = arith.constant 0 : index
      %get3A_96 = arith.constant 0 : index
      %get3A_97 = vector.load %arg10[%get3A_95, %get3A_96] : memref<1x2048xf32, #tpu.memory_space<vmem>>, vector<1x2048xf32>
      %convert_element_type3A_98 = arith.truncf %get3A_97 : vector<1x2048xf32> to vector<1x2048xbf16>
      %get3A_99 = arith.constant 0 : index
      %get3A_100 = arith.constant 0 : index
      %get3A_101 = vector.load %arg11[%get3A_99, %get3A_100] : memref<2048x2048xbf16, #tpu.memory_space<vmem>>, vector<2048x2048xbf16>
      %dot_general3A_102 = arith.constant dense<0.000000e+00> : vector<1x2048xf32>
      %dot_general3A_103 = tpu.matmul %convert_element_type3A_98, %get3A_101, %dot_general3A_102 {dimension_numbers = #tpu.dot_dimension_numbers<[1], [1], [0], [0], [0, 0, 1, 0], [], []>, transpose_lhs_hint = false} : vector<1x2048xbf16>, vector<2048x2048xbf16>, vector<1x2048xf32> -> vector<1x2048xf32>
      %swap3A_104 = arith.constant 0 : index
      %swap3A_105 = arith.constant 0 : index
      %swap3A_106 = vector.load %arg16[%swap3A_104, %swap3A_105] : memref<1x2048xf32, #tpu.memory_space<vmem>>, vector<1x2048xf32>
      tpu.vector_store %arg16[%swap3A_104, %swap3A_105], %dot_general3A_103 {strides = array<i32>} : memref<1x2048xf32, #tpu.memory_space<vmem>>, vector<1x2048xf32>,
    } else {
    }
    %get3A = arith.constant 0 : index
    %get3A_2 = arith.constant 0 : index
    %get3A_3 = vector.load %arg1[%get3A, %get3A_2] : memref<512x512xf32, #tpu.memory_space<vmem>>, vector<512x512xf32>
    %convert_element_type3A_4 = arith.truncf %get3A_3 : vector<512x512xf32> to vector<512x512xbf16>
    %get3A_5 = arith.constant 0 : index
    %get3A_6 = arith.constant 0 : index
    %get3A_7 = vector.load %arg5[%get3A_5, %get3A_6] : memref<512x1xbf16, #tpu.memory_space<vmem>>, vector<512x1xbf16>
    %mul3A = vector.broadcast %get3A_7 : vector<512x1xbf16> to vector<512x512xbf16>
    %mul3A_8 = arith.mulf %convert_element_type3A_4, %mul3A : vector<512x512xbf16>
    %get3A_9 = arith.constant 0 : index
    %get3A_10 = arith.constant 0 : index
    %get3A_11 = vector.load %arg11[%get3A_9, %get3A_10] : memref<2048x2048xbf16, #tpu.memory_space<vmem>>, vector<2048x512xbf16>
    %dot_general3A = arith.constant dense<0.000000e+00> : vector<512x2048xf32>
    %dot_general3A_12 = tpu.matmul %mul3A_8, %get3A_11, %dot_general3A {dimension_numbers = #tpu.dot_dimension_numbers<[1], [1], [0], [0], [0, 0, 1, 0], [], []>, transpose_lhs_hint = false} : vector<512x512xbf16>, vector<2048x512xbf16>, vector<512x2048xf32> -> vector<512x2048xf32>
    %get3A_13 = arith.constant 0 : index
    %get3A_14 = arith.constant 0 : index
    %get3A_15 = vector.load %arg2[%get3A_13, %get3A_14] : memref<512x512xf32, #tpu.memory_space<vmem>>, vector<512x512xf32>
    %convert_element_type3A_16 = arith.truncf %get3A_15 : vector<512x512xf32> to vector<512x512xbf16>
    %get3A_17 = arith.constant 0 : index
    %get3A_18 = arith.constant 0 : index
    %get3A_19 = vector.load %arg6[%get3A_17, %get3A_18] : memref<512x1xbf16, #tpu.memory_space<vmem>>, vector<512x1xbf16>
    %mul3A_20 = vector.broadcast %get3A_19 : vector<512x1xbf16> to vector<512x512xbf16>
    %mul3A_21 = arith.mulf %convert_element_type3A_16, %mul3A_20 : vector<512x512xbf16>
    %get3A_22 = arith.constant 0 : index
    %get3A_23 = arith.constant 512 : index
    %get3A_24 = vector.load %arg11[%get3A_22, %get3A_23] : memref<2048x2048xbf16, #tpu.memory_space<vmem>>, vector<2048x512xbf16>
    %dot_general3A_25 = arith.constant dense<0.000000e+00> : vector<512x2048xf32>
    %dot_general3A_26 = tpu.matmul %mul3A_21, %get3A_24, %dot_general3A_25 {dimension_numbers = #tpu.dot_dimension_numbers<[1], [1], [0], [0], [0, 0, 1, 0], [], []>, transpose_lhs_hint = false} : vector<512x512xbf16>, vector<2048x512xbf16>, vector<512x2048xf32> -> vector<512x2048xf32>
    %add3A = arith.addf %dot_general3A_12, %dot_general3A_26 : vector<512x2048xf32>
    %get3A_27 = arith.constant 0 : index
    %get3A_28 = arith.constant 0 : index
    %get3A_29 = vector.load %arg3[%get3A_27, %get3A_28] : memref<512x512xf32, #tpu.memory_space<vmem>>, vector<512x512xf32>
    %convert_element_type3A_30 = arith.truncf %get3A_29 : vector<512x512xf32> to vector<512x512xbf16>
    %get3A_31 = arith.constant 0 : index
    %get3A_32 = arith.constant 0 : index
    %get3A_33 = vector.load %arg7[%get3A_31, %get3A_32] : memref<512x1xbf16, #tpu.memory_space<vmem>>, vector<512x1xbf16>
    %mul3A_34 = vector.broadcast %get3A_33 : vector<512x1xbf16> to vector<512x512xbf16>
    %mul3A_35 = arith.mulf %convert_element_type3A_30, %mul3A_34 : vector<512x512xbf16>
    %get3A_36 = arith.constant 0 : index
    %get3A_37 = arith.constant 1024 : index
    %get3A_38 = vector.load %arg11[%get3A_36, %get3A_37] : memref<2048x2048xbf16, #tpu.memory_space<vmem>>, vector<2048x512xbf16>
    %dot_general3A_39 = arith.constant dense<0.000000e+00> : vector<512x2048xf32>
    %dot_general3A_40 = tpu.matmul %mul3A_35, %get3A_38, %dot_general3A_39 {dimension_numbers = #tpu.dot_dimension_numbers<[1], [1], [0], [0], [0, 0, 1, 0], [], []>, transpose_lhs_hint = false} : vector<512x512xbf16>, vector<2048x512xbf16>, vector<512x2048xf32> -> vector<512x2048xf32>
    %add3A_41 = arith.addf %add3A, %dot_general3A_40 : vector<512x2048xf32>
    %get3A_42 = arith.constant 0 : index
    %get3A_43 = arith.constant 0 : index
    %get3A_44 = vector.load %arg4[%get3A_42, %get3A_43] : memref<512x512xf32, #tpu.memory_space<vmem>>, vector<512x512xf32>
    %convert_element_type3A_45 = arith.truncf %get3A_44 : vector<512x512xf32> to vector<512x512xbf16>
    %get3A_46 = arith.constant 0 : index
    %get3A_47 = arith.constant 0 : index
    %get3A_48 = vector.load %arg8[%get3A_46, %get3A_47] : memref<512x1xbf16, #tpu.memory_space<vmem>>, vector<512x1xbf16>
    %mul3A_49 = vector.broadcast %get3A_48 : vector<512x1xbf16> to vector<512x512xbf16>
    %mul3A_50 = arith.mulf %convert_element_type3A_45, %mul3A_49 : vector<512x512xbf16>
    %get3A_51 = arith.constant 0 : index
    %get3A_52 = arith.constant 1536 : index
    %get3A_53 = vector.load %arg11[%get3A_51, %get3A_52] : memref<2048x2048xbf16, #tpu.memory_space<vmem>>, vector<2048x512xbf16>
    %dot_general3A_54 = arith.constant dense<0.000000e+00> : vector<512x2048xf32>
    %dot_general3A_55 = tpu.matmul %mul3A_50, %get3A_53, %dot_general3A_54 {dimension_numbers = #tpu.dot_dimension_numbers<[1], [1], [0], [0], [0, 0, 1, 0], [], []>, transpose_lhs_hint = false} : vector<512x512xbf16>, vector<2048x512xbf16>, vector<512x2048xf32> -> vector<512x2048xf32>
    %add3A_56 = arith.addf %add3A_41, %dot_general3A_55 : vector<512x2048xf32>
    %get3A_57 = arith.constant 0 : index
    %get3A_58 = arith.constant 0 : index
    %get3A_59 = vector.load %arg9[%get3A_57, %get3A_58] : memref<512x1xf32, #tpu.memory_space<vmem>>, vector<512x1xf32>
    %get3A_60 = arith.constant 0 : index
    %get3A_61 = arith.constant 0 : index
    %get3A_62 = vector.load %arg16[%get3A_60, %get3A_61] : memref<1x2048xf32, #tpu.memory_space<vmem>>, vector<1x2048xf32>
    %mul3A_63 = vector.broadcast %get3A_59 : vector<512x1xf32> to vector<512x2048xf32>
    %mul3A_64 = vector.broadcast %get3A_62 : vector<1x2048xf32> to vector<512x2048xf32>
    %mul3A_65 = arith.mulf %mul3A_63, %mul3A_64 : vector<512x2048xf32>
    %add3A_66 = arith.addf %add3A_56, %mul3A_65 : vector<512x2048xf32>
    %get3A_67 = arith.constant 0 : index
    %get3A_68 = arith.constant 0 : index
    %get3A_69 = vector.load %arg12[%get3A_67, %get3A_68] : memref<1x2048xf32, #tpu.memory_space<vmem>>, vector<1x2048xf32>
    %add3A_70 = vector.broadcast %get3A_69 : vector<1x2048xf32> to vector<512x2048xf32>
    %add3A_71 = arith.addf %add3A_66, %add3A_70 : vector<512x2048xf32>
    %mul3A_72 = arith.constant 5.000000e-01 : f32
    %mul3A_73 = vector.broadcast %mul3A_72 : f32 to vector<512x2048xf32>
    %mul3A_74 = arith.mulf %mul3A_73, %add3A_71 : vector<512x2048xf32>
    %mul3A_75 = arith.constant 0.707106769 : f32
    %mul3A_76 = vector.broadcast %mul3A_75 : f32 to vector<512x2048xf32>
    %mul3A_77 = arith.mulf %add3A_71, %mul3A_76 : vector<512x2048xf32>
    %erf3A = math.erf %mul3A_77 : vector<512x2048xf32>
    %add3A_78 = arith.constant 1.000000e+00 : f32
    %add3A_79 = vector.broadcast %add3A_78 : f32 to vector<512x2048xf32>
    %add3A_80 = arith.addf %add3A_79, %erf3A : vector<512x2048xf32>
    %mul3A_81 = arith.mulf %mul3A_74, %add3A_80 : vector<512x2048xf32>
    %convert_element_type3A_82 = arith.truncf %mul3A_81 : vector<512x2048xf32> to vector<512x2048xbf16>
    %get3A_83 = arith.constant 0 : index
    %get3A_84 = arith.constant 0 : index
    %get3A_85 = vector.load %arg13[%get3A_83, %get3A_84] : memref<2048x2048xbf16, #tpu.memory_space<vmem>>, vector<2048x2048xbf16>
    %dot_general3A_86 = arith.constant dense<0.000000e+00> : vector<512x2048xf32>
    %dot_general3A_87 = tpu.matmul %convert_element_type3A_82, %get3A_85, %dot_general3A_86 {dimension_numbers = #tpu.dot_dimension_numbers<[1], [1], [0], [0], [0, 0, 1, 0], [], []>, transpose_lhs_hint = false} : vector<512x2048xbf16>, vector<2048x2048xbf16>, vector<512x2048xf32> -> vector<512x2048xf32>
    %get3A_88 = arith.constant 0 : index
    %get3A_89 = arith.constant 0 : index
    %get3A_90 = vector.load %arg14[%get3A_88, %get3A_89] : memref<1x2048xf32, #tpu.memory_space<vmem>>, vector<1x2048xf32>
    %add3A_91 = vector.broadcast %get3A_90 : vector<1x2048xf32> to vector<512x2048xf32>
    %add3A_92 = arith.addf %dot_general3A_87, %add3A_91 : vector<512x2048xf32>
    %swap3A = arith.constant 0 : index
    %swap3A_93 = arith.constant 0 : index
    %swap3A_94 = vector.load %arg15[%swap3A, %swap3A_93] : memref<512x2048xf32, #tpu.memory_space<vmem>>, vector<512x2048xf32>
    tpu.vector_store %arg15[%swap3A, %swap3A_93], %add3A_92 {strides = array<i32>} : memref<512x2048xf32, #tpu.memory_space<vmem>>, vector<512x2048xf32>,
    return
  }
  func.func @transform_0(%arg0: i32) -> (i32, i32) {
    %add3A = arith.constant 0 : i32
    %add3A_0 = arith.addi %add3A, %arg0 : i32
    %c0_i32 = arith.constant 0 : i32
    %c0_i32_1 = arith.constant 0 : i32
    return %add3A_0, %c0_i32 : i32, i32
  }
  func.func @transform_1(%arg0: i32) -> (i32, i32) {
    %add3A = arith.constant 3 : i32
    %add3A_0 = arith.addi %add3A, %arg0 : i32
    %c0_i32 = arith.constant 0 : i32
    %c0_i32_1 = arith.constant 0 : i32
    return %add3A_0, %c0_i32 : i32, i32
  }
  func.func @transform_2(%arg0: i32) -> (i32, i32) {
    %add3A = arith.constant 6 : i32
    %add3A_0 = arith.addi %add3A, %arg0 : i32
    %c0_i32 = arith.constant 0 : i32
    %c0_i32_1 = arith.constant 0 : i32
    return %add3A_0, %c0_i32 : i32, i32
  }
  func.func @transform_3(%arg0: i32) -> (i32, i32) {
    %add3A = arith.constant 9 : i32
    %add3A_0 = arith.addi %add3A, %arg0 : i32
    %c0_i32 = arith.constant 0 : i32
    %c0_i32_1 = arith.constant 0 : i32
    return %add3A_0, %c0_i32 : i32, i32
  }
  func.func @transform_4(%arg0: i32) -> (i32, i32) {
    %add3A = arith.constant 0 : i32
    %add3A_0 = arith.addi %add3A, %arg0 : i32
    %c0_i32 = arith.constant 0 : i32
    %c0_i32_1 = arith.constant 0 : i32
    return %add3A_0, %c0_i32 : i32, i32
  }
  func.func @transform_5(%arg0: i32) -> (i32, i32) {
    %add3A = arith.constant 3 : i32
    %add3A_0 = arith.addi %add3A, %arg0 : i32
    %c0_i32 = arith.constant 0 : i32
    %c0_i32_1 = arith.constant 0 : i32
    return %add3A_0, %c0_i32 : i32, i32
  }
  func.func @transform_6(%arg0: i32) -> (i32, i32) {
    %add3A = arith.constant 6 : i32
    %add3A_0 = arith.addi %add3A, %arg0 : i32
    %c0_i32 = arith.constant 0 : i32
    %c0_i32_1 = arith.constant 0 : i32
    return %add3A_0, %c0_i32 : i32, i32
  }
  func.func @transform_7(%arg0: i32) -> (i32, i32) {
    %add3A = arith.constant 9 : i32
    %add3A_0 = arith.addi %add3A, %arg0 : i32
    %c0_i32 = arith.constant 0 : i32
    %c0_i32_1 = arith.constant 0 : i32
    return %add3A_0, %c0_i32 : i32, i32
  }
  func.func @transform_8(%arg0: i32) -> (i32, i32) {
    %c0_i32 = arith.constant 0 : i32
    %c0_i32_0 = arith.constant 0 : i32
    return %arg0, %c0_i32 : i32, i32
  }
  func.func @transform_9(%arg0: i32) -> (i32, i32) {
    %c0_i32 = arith.constant 0 : i32
    %c0_i32_0 = arith.constant 0 : i32
    %c0_i32_1 = arith.constant 0 : i32
    return %c0_i32, %c0_i32_0 : i32, i32
  }
  func.func @transform_10(%arg0: i32) -> (i32, i32) {
    %c0_i32 = arith.constant 0 : i32
    %c0_i32_0 = arith.constant 0 : i32
    %c0_i32_1 = arith.constant 0 : i32
    return %c0_i32, %c0_i32_0 : i32, i32
  }
  func.func @transform_11(%arg0: i32) -> (i32, i32) {
    %c0_i32 = arith.constant 0 : i32
    %c0_i32_0 = arith.constant 0 : i32
    %c0_i32_1 = arith.constant 0 : i32
    return %c0_i32, %c0_i32_0 : i32, i32
  }
  func.func @transform_12(%arg0: i32) -> (i32, i32) {
    %c0_i32 = arith.constant 0 : i32
    %c0_i32_0 = arith.constant 0 : i32
    %c0_i32_1 = arith.constant 0 : i32
    return %c0_i32, %c0_i32_0 : i32, i32
  }
  func.func @transform_13(%arg0: i32) -> (i32, i32) {
    %c0_i32 = arith.constant 0 : i32
    %c0_i32_0 = arith.constant 0 : i32
    %c0_i32_1 = arith.constant 0 : i32
    return %c0_i32, %c0_i32_0 : i32, i32
  }
  func.func @transform_14(%arg0: i32) -> (i32, i32) {
    %c0_i32 = arith.constant 0 : i32
    %c0_i32_0 = arith.constant 0 : i32
    return %arg0, %c0_i32 : i32, i32
  }
}

module attributes {stable_mosaic.version = 14 : i64} {
  func.func @_cast_body(%arg0: i32, %arg1: memref<512x2048xf32, #tpu.memory_space<vmem>>, %arg2: memref<512x2048xf32, #tpu.memory_space<vmem>>, %arg3: memref<512x2048xbf16, #tpu.memory_space<vmem>>, %arg4: memref<512x2048xbf16, #tpu.memory_space<vmem>>) attributes {dimension_semantics = [#tpu.dimension_semantics<arbitrary>], iteration_bounds = array<i64: 4>, scalar_prefetch = 0 : i64, scratch_operands = 0 : i64, tpu.core_type = #tpu.core_type<tc>, window_params = [{transform_indices = @transform_0, window_bounds = array<i64: 512, 2048>}, {transform_indices = @transform_1, window_bounds = array<i64: 512, 2048>}, {transform_indices = @transform_2, window_bounds = array<i64: 512, 2048>}, {transform_indices = @transform_3, window_bounds = array<i64: 512, 2048>}]} {
    %get3A = arith.constant 0 : index
    %get3A_0 = arith.constant 0 : index
    %get3A_1 = vector.load %arg1[%get3A, %get3A_0] : memref<512x2048xf32, #tpu.memory_space<vmem>>, vector<512x2048xf32>
    %convert_element_type3A = arith.truncf %get3A_1 : vector<512x2048xf32> to vector<512x2048xbf16>
    %swap3A = arith.constant 0 : index
    %swap3A_2 = arith.constant 0 : index
    %swap3A_3 = vector.load %arg3[%swap3A, %swap3A_2] : memref<512x2048xbf16, #tpu.memory_space<vmem>>, vector<512x2048xbf16>
    tpu.vector_store %arg3[%swap3A, %swap3A_2], %convert_element_type3A {strides = array<i32>} : memref<512x2048xbf16, #tpu.memory_space<vmem>>, vector<512x2048xbf16>,
    %get3A_4 = arith.constant 0 : index
    %get3A_5 = arith.constant 0 : index
    %get3A_6 = vector.load %arg2[%get3A_4, %get3A_5] : memref<512x2048xf32, #tpu.memory_space<vmem>>, vector<512x2048xf32>
    %convert_element_type3A_7 = arith.truncf %get3A_6 : vector<512x2048xf32> to vector<512x2048xbf16>
    %swap3A_8 = arith.constant 0 : index
    %swap3A_9 = arith.constant 0 : index
    %swap3A_10 = vector.load %arg4[%swap3A_8, %swap3A_9] : memref<512x2048xbf16, #tpu.memory_space<vmem>>, vector<512x2048xbf16>
    tpu.vector_store %arg4[%swap3A_8, %swap3A_9], %convert_element_type3A_7 {strides = array<i32>} : memref<512x2048xbf16, #tpu.memory_space<vmem>>, vector<512x2048xbf16>,
    return
  }
  func.func @transform_0(%arg0: i32) -> (i32, i32) {
    %c0_i32 = arith.constant 0 : i32
    %c0_i32_0 = arith.constant 0 : i32
    return %arg0, %c0_i32 : i32, i32
  }
  func.func @transform_1(%arg0: i32) -> (i32, i32) {
    %c0_i32 = arith.constant 0 : i32
    %c0_i32_0 = arith.constant 0 : i32
    return %arg0, %c0_i32 : i32, i32
  }
  func.func @transform_2(%arg0: i32) -> (i32, i32) {
    %c0_i32 = arith.constant 0 : i32
    %c0_i32_0 = arith.constant 0 : i32
    return %arg0, %c0_i32 : i32, i32
  }
  func.func @transform_3(%arg0: i32) -> (i32, i32) {
    %c0_i32 = arith.constant 0 : i32
    %c0_i32_0 = arith.constant 0 : i32
    return %arg0, %c0_i32 : i32, i32
  }
}

</mosaic_0001>

<sc_bundles>
// kernel: kernel.5.cloned.1.call-start
scs
__scs_entry_jumppad:
0x0: {  	(pc) =	sbr.rel $0x88, $3  }
0x1: {  	(tag) =	ssettag $0x0;
	lr =	simm.s32 $0x1  }
0x2: {  	[smem:$0x3F9B] =	sst lr;
	_ =	strace $0xD0000000  }
0x3: {  	_ = 	snop  }
0x4: {  	_ = 	snop  }
0x5: {  	_ = 	snop  }
0x6: {  	_ = 	snop  }
0x7: {  	_ = 	snop  }
__scs_overlays_trampoline_lowered:
0x8: {  	[smem:$0x3FAA] =	sst s0  }
0x9: {  	[smem:$0x3FAB] =	sst s1  }
0xa: {  	[smem:$0x3FAC] =	sst s2  }
0xb: {  	[smem:$0x3FAD] =	sst s3  }
0xc: {  	[smem:$0x3FAE] =	sst s4  }
0xd: {  	[smem:$0x3FAF] =	sst s5  }
0xe: {  	[smem:$0x3FB0] =	sst s6  }
0xf: {  	[smem:$0x3FB1] =	sst s7  }
0x10: {  	[smem:$0x3FB2] =	sst s8  }
0x11: {  	[smem:$0x3FB3] =	sst s9;
	s0 =	simm.s32 @!p0 $0x0  }
0x12: {  	s1 =	sld [smem:$0x3F99];
	s0 =	simm.s32 @p0 $0x1  }
0x13: {  	[smem:$0x3FB4] =	sst s0;
	s0 =	simm.s32 @!p1 $0x0  }
0x14: {  	s2 =	sld [smem:$0x3F98];
	s0 =	simm.s32 @p1 $0x1  }
0x15: {  	[smem:$0x3FB5] =	sst s0;
	s0 =	simm.s32 @!p2 $0x0  }
0x16: {  	s3 =	sld [smem:$0x3FDB];
	s0 =	simm.s32 @p2 $0x1  }
0x17: {  	s4 =	simm.s32 $0x1BF5;
	[smem:$0x3FB7] =	sst s0  }
0x18: {  	s0 =	sld [smem:$0x3F9A];
	_ =	swait.ge [sflag:s4], $0x0  }
0x19: {  	s7 =	sld [smem:$0x3F9B]  }
0x1a: {  	s8 =	sadd.s32 $0xFFFFE003, lr  }
0x1b: {  	s9 =	sadd.s32 $0xFFFFFEF7, lr;
	s5 =	simm.s32 $0xFFFFFFFF;
	p2 =	slt.u32 s8, $0xFFFFF086  }
0x1c: {  	p1 =	slt.u32 s9, $0xF7A;
	s5 =	simm.s32 @!p2 $0x0  }
0x1d: {  	s5 =	simm.s32 @p1 $0x1;
	p0 =	seq.s32 s7, s2  }
0x1e: {  	s7 =	smul.u32 @!p0 $0xF7A, s2;
	p2 =	seq.s32 @!p0 s5, $0x0  }
0x1f: {  	s9 =	smul.u32 $0xF7A, s1;
	s8 =	simm.s32 @!p0 $0x1BF5;
	p2 =	por !p2, p0  }
0x20: {  	[sflag:s8] =	ssyncset.s32 @!p0 $0xFFFFF086;
	s6 =	sadd.s32 @!p0 s3, s7;
	s7 =	simm.s32 @!p0 $0x108  }
0x21: {  	s3 =	sadd.s32 s3, s9;
	s6 =	sadd.s32 @!p0 $0x88, s6;
	s7 =	simm.s32 @p2 $0x1082  }
0x22: {  	[simem:s7], [sflag:s8] =	dma.local @!p0 [hbm:s6], $0xF7A  }
0x23: {  	s9 =	sor.u32 $0xD0000000, s2;
	s6 =	simm.s32 $0x108;
	_ =	swait.ge @!p0 [sflag:s8], $0x0  }
0x24: {  	s3 =	sadd.s32 $0x88, s3;
	s6 =	simm.s32 @!p1 $0x1082;
	[sflag:s4] =	ssyncset.s32 $0xFFFFF086  }
0x25: {  	[simem:s6], [sflag:s4] =	dma.local [hbm:s3], $0xF7A  }
0x26: {  	[smem:$0x3F9B] =	sst s1;
	(tag) =	ssettag s2;
	_ =	strace s9  }
0x27: {  	s1 =	sld [smem:$0x3FAB]  }
0x28: {  	s2 =	sld [smem:$0x3FAC]  }
0x29: {  	s4 =	sld [smem:$0x3FAE]  }
0x2a: {  	p0 =	seq.s32 s5, $0x0;
	s5 =	sld [smem:$0x3FAF]  }
0x2b: {  	s6 =	sld [smem:$0x3FB0]  }
0x2c: {  	s7 =	sld [smem:$0x3FB1]  }
0x2d: {  	s3 =	simm.s32 $0x108;
	s8 =	sld [smem:$0x3FB2]  }
0x2e: {  	s3 =	simm.s32 @!p0 $0x1082;
	s9 =	sld [smem:$0x3FB3]  }
0x2f: {  	lr =	sadd.s32 s0, s3;
	s0 =	sld [smem:$0x3FAA]  }
0x30: {  	s3 =	sld [smem:$0x3FAD]  }
0x31: {  	[smem:$0x3FB6] =	sst s10  }
0x32: {  	s10 =	sld [smem:$0x3FB4];
	_ =	sdelay $0x3  }
0x33: {  	p0 =	seq.s32 s10, $0x1;
	s10 =	sld [smem:$0x3FB6];
	_ =	sdelay $0x3  }
0x34: {  	[smem:$0x3FB6] =	sst s10  }
0x35: {  	s10 =	sld [smem:$0x3FB5];
	_ =	sdelay $0x3  }
0x36: {  	p1 =	seq.s32 s10, $0x1;
	s10 =	sld [smem:$0x3FB6];
	_ =	sdelay $0x3  }
0x37: {  	[smem:$0x3FB6] =	sst s10  }
0x38: {  	s10 =	sld [smem:$0x3FB7]  }
0x39: {  	_ = 	snop;
	(pc) =	sbr.ind lr, $3  }
0x3a: {  	_ = 	snop  }
0x3b: {  	_ = 	snop  }
0x3c: {  	p2 =	seq.s32 s10, $0x1;
	s10 =	sld [smem:$0x3FB6]  }
0x3d: {  	_ =	shalt  }
0x3e: {  	_ =	shalt  }
0x3f: {  	_ =	shalt  }
0x40: {  	_ =	shalt  }
0x41: {  	_ =	shalt  }
0x42: {  	_ =	shalt  }
0x43: {  	_ =	shalt  }
0x44: {  	_ =	shalt  }
0x45: {  	_ =	shalt  }
0x46: {  	_ =	shalt  }
0x47: {  	_ =	shalt  }
0x48: {  	_ =	shalt  }
0x49: {  	_ =	shalt  }
0x4a: {  	_ =	shalt  }
0x4b: {  	_ =	shalt  }
0x4c: {  	_ =	shalt  }
0x4d: {  	_ =	shalt  }
0x4e: {  	_ =	shalt  }
0x4f: {  	_ =	shalt  }
0x50: {  	_ =	shalt  }
0x51: {  	_ =	shalt  }
0x52: {  	_ =	shalt  }
0x53: {  	_ =	shalt  }
0x54: {  	_ =	shalt  }
0x55: {  	_ =	shalt  }
0x56: {  	_ =	shalt  }
0x57: {  	_ =	shalt  }
0x58: {  	_ =	shalt  }
0x59: {  	_ =	shalt  }
0x5a: {  	_ =	shalt  }
0x5b: {  	_ =	shalt  }
0x5c: {  	_ =	shalt  }
0x5d: {  	_ =	shalt  }
0x5e: {  	_ =	shalt  }
0x5f: {  	_ =	shalt  }
0x60: {  	_ =	shalt  }
0x61: {  	_ =	shalt  }
0x62: {  	_ =	shalt  }
0x63: {  	_ =	shalt  }
0x64: {  	_ =	shalt  }
0x65: {  	_ =	shalt  }
0x66: {  	_ =	shalt  }
0x67: {  	_ =	shalt  }
0x68: {  	_ =	shalt  }
0x69: {  	_ =	shalt  }
0x6a: {  	_ =	shalt  }
0x6b: {  	_ =	shalt  }
0x6c: {  	_ =	shalt  }
0x6d: {  	_ =	shalt  }
0x6e: {  	_ =	shalt  }
0x6f: {  	_ =	shalt  }
0x70: {  	_ =	shalt  }
0x71: {  	_ =	shalt  }
0x72: {  	_ =	shalt  }
0x73: {  	_ =	shalt  }
0x74: {  	_ =	shalt  }
0x75: {  	_ =	shalt  }
0x76: {  	_ =	shalt  }
0x77: {  	_ =	shalt  }
0x78: {  	_ =	shalt  }
0x79: {  	_ =	shalt  }
0x7a: {  	_ =	shalt  }
0x7b: {  	_ =	shalt  }
0x7c: {  	_ =	shalt  }
0x7d: {  	_ =	shalt  }
0x7e: {  	_ =	shalt  }
0x7f: {  	_ =	shalt  }
0x80: {  	_ =	shalt  }
0x81: {  	_ =	shalt  }
0x82: {  	_ =	shalt  }
0x83: {  	_ =	shalt  }
0x84: {  	_ =	shalt  }
0x85: {  	_ =	shalt  }
0x86: {  	_ =	shalt  }
0x87: {  	_ =	shalt  }
.Lfunc_end0:
.L_simem_size_0:
called_computation_lowered:
.L_overlay_start_0:
0x88: {  	s2 =	sld [smem:$0x3FD9]  }
0x89: {  	s3 =	sld [smem:$0x3FFE];
	_ =	sdelay $0x1  }
0x8a: {  	s1 =	srdreg.scid  }
0x8b: {  	s0 =	sand.u32 $0x1, s1  }
0x8c: {  	s17 =	sshll.u32 s0, $0xA;
	s2 =	sadd.s32 s3, s2  }
0x8d: {  	s2 =	sadd.s32 s2, s17  }
0x8e: {  	[smem:$0x3FC2] =	sst s2  }
0x8f: {  	_ = 	snop  }
0x90: {  	s2 =	sld [smem:$0x3FC9]  }
0x91: {  	s18 =	sld [smem:$0x3FD0];
	(tm) =	ssettm $0x1  }
0x92: {  	s4 =	sld [smem:$0x3FFB];
	_ =	sdelay $0x3  }
0x93: {  	_ =	strace s4  }
0x94: {  	s4 =	sld [smem:$0x3FFC];
	_ =	sdelay $0x3  }
0x95: {  	_ =	strace s4  }
0x96: {  	s4 =	sld [smem:$0x3FFD];
	_ =	sdelay $0x3  }
0x97: {  	_ =	strace s4  }
0x98: {  	_ =	strace $0x8FFFFFFF  }
0x99: {  	s19 =	sld [smem:$0x3FDB];
	_ =	sdelay $0x1  }
0x9a: {  	s5 =	simm.s32 $_scs_section_size  }
0x9b: {  	s6 =	simm.s32 $_size__tile_overlayer_lowered;
	s7 =	simm.s32 $_tile_overlayer_lowered  }
0x9c: {  	s22 =	simm.s32 $0x1BFF;
	s21 =	sshll.u32 s7, $0x1;
	s4 =	sadd.s32 s5, s19  }
0x9d: {  	s8 =	simm.s32 $0x0;
	s20 =	sshll.u32 s6, $0x1;
	s6 =	sadd.s32 s21, s4  }
0x9e: {  	[timem:s8], [sflag:s22] =	dma.local [hbm:s6], s20  }
0x9f: {  	_ =	swait.ge [sflag:s22], s20  }
0xa0: {  	s5 =	ssub.s32 $0x0, s20;
	[sflag:s22] =	ssyncset.done $0x0  }
0xa1: {  	[sflag:s22] =	ssyncadd.s32 s5;
	_ =	sdelay $0x1  }
0xa2: {  	s23 =	simm.s32 $0x1B8B  }
0xa3: {  	_ =	swait.ge [sflag:s23], $0x1  }
0xa4: {  	[sflag:s23] =	ssyncset.done $0x0  }
0xa5: {  	s25 =	simm.s32 $0x1B8E;
	s24 =	sld [smem:$0x3FFE];
	[sflag:s23] =	ssyncadd.s32 $0xFFFFFFFF  }
0xa6: {  	s26 =	simm.s32 $execute0_lowered;
	[smem:$0x3FD2] =	sst s25  }
0xa7: {  	s6 =	sshll.u32 s26, $0x1;
	_ =	strace $0x80000046;
	[dreg:$0x1] =	wrdreg $0xFFFFFFFF  }
0xa8: {  	s28 =	simm.s32 $_size_execute0_lowered;
	s4 =	sadd.s32 s4, s6;
	[dreg:$0x0] =	wrdreg $0x0  }
0xa9: {  	s6 =	sshll.u32 s28, $0x1;
	[dreg:$0x2] =	wrdreg s4  }
0xaa: {  	[dreg:$0x3] =	wrdreg s6  }
0xab: {  	[dreg:$0x4] =	wrdreg $0xC0  }
0xac: {  	_ =	task [dreg:s8], $0x5FFFF  }
0xad: {  	[dreg:$0x1] =	wrdreg $0xFFFFFFFF  }
0xae: {  	[dreg:$0x0] =	wrdreg $0x60  }
0xaf: {  	[dreg:$0x2] =	wrdreg s2  }
0xb0: {  	[dreg:$0x3] =	wrdreg s18  }
0xb1: {  	[dreg:$0x4] =	wrdreg s24  }
0xb2: {  	[dreg:$0x5] =	wrdreg $0x9  }
0xb3: {  	_ =	task.clear_ibuf [dreg:s8], $0x6FFFF;
	_ =	strace $0x90000046  }
0xb4: {  	s29 =	simm.s32 $0x9;
	_ =	strace $0x80000048  }
0xb5: {  	_ =	swait.ge [sflag:s29], $0x1  }
0xb6: {  	[sflag:s29] =	ssyncadd.s32 $0xFFFFFFFF  }
0xb7: {  	_ =	strace $0x90000048  }
0xb8: {  	_ =	sfence  }
0xb9: {  	s30 =	sld [smem:$0x0];
	_ =	sdelay $0x2  }
0xba: {  	s31 =	sshll.u32 s1, $0xD;
	s1 =	sshrl.u32 s1, $0x2  }
0xbb: {  	s3 =	sand.u32 $0x4000, s31;
	s1 =	sadd.s32 s1, s30  }
0xbc: {  	s0 =	sor.u32 s3, s0;
	s1 =	sshll.u32 s1, $0x11  }
0xbd: {  	s0 =	sor.u32 s1, s0  }
0xbe: {  	s0 =	sadd.s32 $0x8F2B, s0  }
0xbf: {  	[sflag:s0] =	ssyncadd.remote.s32 $0x1  }
0xc0: {  	_ =	sfence.sel $0xFFFF  }
0xc1: {  	[dreg:$0x0] =	wrdreg $0xFFFFFFFF;
	(pc) =	sbr.abs _section_cstart, $3  }
0xc2: {  	[dreg:$0x1] =	wrdreg $0xFFFFFFFF  }
0xc3: {  	_ =	task.clear_ibuf [dreg:s8], $0x2FFFF;
	_ =	strace $0x9FFFFFFF  }
0xc4: {  	(tm) =	ssettm $0x7FFFFFFF  }
0xc5: {  	_ =	shalt  }
tec
execute0_lowered:
.L_overlay_start_1:
0x0: {  	(tag) =	ssettag $0x1  }
0x1: {  	s1 =	rddreg [dreg:$0x0]  }
0x2: {  	s2 =	srdreg.scid;
	s0 =	stileid.u32  }
0x3: {  	s4 =	rddreg [dreg:$0x1];
	s2 =	sand.u32 $0x1, s2;
	s3 =	sshll.u32 s0, $0x1  }
0x4: {  	s5 =	rddreg [dreg:$0x2];
	s6 =	sor.u32 s2, s3;
	s3 =	simm.s32 $0x0  }
0x5: {  	s25 =	simm.s32 $0x900;
	[smem:$0x7FF] =	sst s3  }
0x6: {  	s26 =	simm.s32 $0x1100;
	_ =	strace $0x80000047;
	[dreg:$0x6] =	wrdreg s25  }
0x7: {  	s0 =	simm.s32 $0x1900;
	[dreg:$0x7] =	wrdreg s26  }
0x8: {  	s8 =	simm.s32 $0x3900;
	[dreg:$0x8] =	wrdreg s0  }
0x9: {  	s9 =	simm.s32 $0x4100;
	[dreg:$0xc] =	wrdreg s8  }
0xa: {  	s10 =	simm.s32 $0x4900;
	[dreg:$0xd] =	wrdreg s9  }
0xb: {  	s11 =	simm.s32 $0x5100;
	[dreg:$0xe] =	wrdreg s10  }
0xc: {  	s12 =	simm.s32 $0x5900;
	s13 =	simm.s32 $0x6100;
	[dreg:$0xf] =	wrdreg s11  }
0xd: {  	s14 =	simm.s32 $0x6900;
	s15 =	simm.s32 $0x7100;
	[dreg:$0x10] =	wrdreg s12  }
0xe: {  	s16 =	simm.s32 $0x7900;
	s17 =	simm.s32 $0x8100;
	[dreg:$0x11] =	wrdreg s13  }
0xf: {  	s18 =	simm.s32 $0x8900;
	s19 =	simm.s32 $0x9100;
	[dreg:$0x12] =	wrdreg s14  }
0x10: {  	s20 =	simm.s32 $0x9900;
	s21 =	simm.s32 $0xA100;
	[dreg:$0x13] =	wrdreg s15  }
0x11: {  	s23 =	simm.s32 $0xA900;
	s28 =	simm.s32 $0x16100;
	[dreg:$0x14] =	wrdreg s16  }
0x12: {  	s29 =	simm.s32 $0x16900;
	s30 =	simm.s32 $0x17100;
	[dreg:$0x15] =	wrdreg s17  }
0x13: {  	s31 =	simm.s32 $0x17900;
	s2 =	ssub.s32 $0x2, s2;
	[dreg:$0x16] =	wrdreg s18  }
0x14: {  	s7 =	smul.u32 $0x3000, s6;
	s6 =	sshll.u32 s6, $0x5;
	[dreg:$0x17] =	wrdreg s19  }
0x15: {  	s22 =	sshrl.u32 s2, $0x1;
	s4 =	sadd.s32 s4, s6;
	[dreg:$0x18] =	wrdreg s20  }
0x16: {  	s6 =	simm.s32 $0x2900;
	[dreg:$0x19] =	wrdreg s21;
	s2 =	ssub.s32 s2, s22  }
0x17: {  	[dreg:$0x1a] =	wrdreg s23;
	s25 =	simm.s32 $0xB900;
	s26 =	simm.s32 $0xC100  }
0x18: {  	s9 =	simm.s32 $0xD100;
	s10 =	simm.s32 $0xD900;
	s11 =	simm.s32 $0xE100  }
0x19: {  	s12 =	simm.s32 $0xE900;
	s13 =	simm.s32 $0xF100;
	s14 =	simm.s32 $0xF900  }
0x1a: {  	s15 =	simm.s32 $0x10100;
	s16 =	simm.s32 $0x10900;
	s17 =	simm.s32 $0x11100  }
0x1b: {  	s18 =	simm.s32 $0x11900;
	s19 =	simm.s32 $0x12100;
	s20 =	simm.s32 $0x12900  }
0x1c: {  	s21 =	simm.s32 $0x13100;
	s22 =	simm.s32 $0x13900;
	[dreg:$0x4] =	wrdreg s4  }
0x1d: {  	s23 =	simm.s32 $0x14100;
	s5 =	sadd.s32 s7, s5;
	[dreg:$0xa] =	wrdreg s6  }
0x1e: {  	s7 =	simm.s32 $0x3100;
	s4 =	sadd.s32 $0x100, s1;
	[dreg:$0x1c] =	wrdreg s25  }
0x1f: {  	s6 =	simm.s32 $0x2;
	[dreg:$0x1d] =	wrdreg s26;
	s25 =	simm.s32 $0x15100  }
0x20: {  	s26 =	simm.s32 $0x15900;
	s24 =	sadd.s32 $0x1000, s5;
	[dreg:$0xb] =	wrdreg s7  }
0x21: {  	v2 =	vlaneseq.u32;
	s5 =	simm.s32 $0x2100;
	s7 =	simm.s32 $0x100;
	[dreg:$0x5] =	wrdreg s24  }
0x22: {  	vm0 =	vmmov $0xffff;
	v1 =	vshrl.u32 v2, $0x3;
	[dreg:$0x9] =	wrdreg s5;
	s24 =	simm.s32 $0xB100;
	s5 =	smax.u32 s2, $0x1  }
0x23: {  	v0 =	vand.u32 $0x7, v2;
	v2 =	vor.u32 $0x8, v2;
	v1 =	vmul.u32 $0x8, v1;
	s2 =	simm.s32 $0x1;
	[dreg:$0x1b] =	wrdreg s24;
	s24 =	simm.s32 $0x14900  }
.LBB2_1:
0x24: {  	s0 =	rddreg [dreg:$0x4]  }
0x25: {  	[tilespmem:s3], [sflag:$0x2] =	stream.linear.gather [hbm4b:s0+s3], $0x100, $0x38;
	[tilespmem:$0x18100] =	vst v63  }
0x26: {  	_ =	swait.ge [sflag:s6], $0x100  }
0x27: {  	[sflag:s6] =	ssyncset.done $0x0  }
0x28: {  	[sflag:s6] =	ssyncadd.s32 $0xFFFFFF00  }
0x29: {  	v3 =	vld [tilespmem:$0x0];
	_ =	sdelay $0x4  }
0x2a: {  	v4 =	vshll.u32 v3, $0x2  }
0x2b: {  	v3 =	vand.u32 $0x7, v3;
	v4 =	vand.u32 $0xFFFFFFE0, v4  }
0x2c: {  	v3 =	vor.u32 v3, v4  }
0x2d: {  	v4 =	vperm.xlane v3, v0;
	_ =	sdelay $0x1  }
0x2e: {  	v4 =	vadd.s32 v1, v4;
	_ =	sdelay $0x1  }
0x2f: {  	v3 =	vperm.xlane v3, v2;
	_ =	sdelay $0x1  }
0x30: {  	v3 =	vadd.s32 v1, v3  }
0x31: {  	[tilespmem:s7], [sflag:$0x1] =	stream.indirect_vreg.gather [hbm4b:s1+s3], $0x80, v4, vm0, $0xb8;
	[tilespmem:$0x18100] =	vst v63  }
0x32: {  	s0 =	rddreg [dreg:$0x6]  }
0x33: {  	[tilespmem:s0], [sflag:$0x1] =	stream.indirect_vreg.gather [hbm4b:s4+s3], $0x80, v4, vm0, $0xb8;
	[tilespmem:$0x18100] =	vst v63  }
0x34: {  	s8 =	rddreg [dreg:$0x7]  }
0x35: {  	[tilespmem:s8], [sflag:$0x1] =	stream.indirect_vreg.gather [hbm4b:s1+s3], $0x80, v3, vm0, $0xb8;
	[tilespmem:$0x18100] =	vst v63  }
0x36: {  	s0 =	rddreg [dreg:$0x8]  }
0x37: {  	[tilespmem:s0], [sflag:$0x1] =	stream.indirect_vreg.gather [hbm4b:s4+s3], $0x80, v3, vm0, $0xb8;
	[tilespmem:$0x18100] =	vst v63  }
0x38: {  	v3 =	vld [tilespmem:$0x10];
	_ =	sdelay $0x4  }
0x39: {  	v53 =	vshll.u32 v3, $0x2  }
0x3a: {  	v3 =	vand.u32 $0x7, v3;
	v4 =	vand.u32 $0xFFFFFFE0, v53  }
0x3b: {  	v3 =	vor.u32 v3, v4  }
0x3c: {  	v4 =	vperm.xlane v3, v0;
	_ =	sdelay $0x1  }
0x3d: {  	v4 =	vadd.s32 v1, v4;
	_ =	sdelay $0x1  }
0x3e: {  	v3 =	vperm.xlane v3, v2;
	_ =	sdelay $0x1  }
0x3f: {  	s0 =	rddreg [dreg:$0x9];
	v3 =	vadd.s32 v1, v3  }
0x40: {  	[tilespmem:s0], [sflag:$0x1] =	stream.indirect_vreg.gather [hbm4b:s1+s3], $0x80, v4, vm0, $0xb8;
	[tilespmem:$0x18100] =	vst v63  }
0x41: {  	s8 =	rddreg [dreg:$0xa]  }
0x42: {  	[tilespmem:s8], [sflag:$0x1] =	stream.indirect_vreg.gather [hbm4b:s4+s3], $0x80, v4, vm0, $0xb8;
	[tilespmem:$0x18100] =	vst v63  }
0x43: {  	s0 =	rddreg [dreg:$0xb]  }
0x44: {  	[tilespmem:s0], [sflag:$0x1] =	stream.indirect_vreg.gather [hbm4b:s1+s3], $0x80, v3, vm0, $0xb8;
	[tilespmem:$0x18100] =	vst v63  }
0x45: {  	s8 =	rddreg [dreg:$0xc]  }
0x46: {  	[tilespmem:s8], [sflag:$0x1] =	stream.indirect_vreg.gather [hbm4b:s4+s3], $0x80, v3, vm0, $0xb8;
	[tilespmem:$0x18100] =	vst v63  }
0x47: {  	v3 =	vld [tilespmem:$0x20];
	_ =	sdelay $0x4  }
0x48: {  	v54 =	vshll.u32 v3, $0x2  }
0x49: {  	v3 =	vand.u32 $0x7, v3;
	v4 =	vand.u32 $0xFFFFFFE0, v54  }
0x4a: {  	v3 =	vor.u32 v3, v4  }
0x4b: {  	v4 =	vperm.xlane v3, v0;
	_ =	sdelay $0x1  }
0x4c: {  	v4 =	vadd.s32 v1, v4;
	_ =	sdelay $0x1  }
0x4d: {  	v3 =	vperm.xlane v3, v2;
	_ =	sdelay $0x1  }
0x4e: {  	s0 =	rddreg [dreg:$0xd];
	v3 =	vadd.s32 v1, v3  }
0x4f: {  	[tilespmem:s0], [sflag:$0x1] =	stream.indirect_vreg.gather [hbm4b:s1+s3], $0x80, v4, vm0, $0xb8;
	[tilespmem:$0x18100] =	vst v63  }
0x50: {  	s8 =	rddreg [dreg:$0xe]  }
0x51: {  	[tilespmem:s8], [sflag:$0x1] =	stream.indirect_vreg.gather [hbm4b:s4+s3], $0x80, v4, vm0, $0xb8;
	[tilespmem:$0x18100] =	vst v63  }
0x52: {  	s0 =	rddreg [dreg:$0xf]  }
0x53: {  	[tilespmem:s0], [sflag:$0x1] =	stream.indirect_vreg.gather [hbm4b:s1+s3], $0x80, v3, vm0, $0xb8;
	[tilespmem:$0x18100] =	vst v63  }
0x54: {  	s8 =	rddreg [dreg:$0x10]  }
0x55: {  	[tilespmem:s8], [sflag:$0x1] =	stream.indirect_vreg.gather [hbm4b:s4+s3], $0x80, v3, vm0, $0xb8;
	[tilespmem:$0x18100] =	vst v63  }
0x56: {  	v3 =	vld [tilespmem:$0x30];
	_ =	sdelay $0x4  }
0x57: {  	v55 =	vshll.u32 v3, $0x2  }
0x58: {  	v3 =	vand.u32 $0x7, v3;
	v4 =	vand.u32 $0xFFFFFFE0, v55  }
0x59: {  	v3 =	vor.u32 v3, v4  }
0x5a: {  	v4 =	vperm.xlane v3, v0;
	_ =	sdelay $0x1  }
0x5b: {  	v4 =	vadd.s32 v1, v4;
	_ =	sdelay $0x1  }
0x5c: {  	v3 =	vperm.xlane v3, v2;
	_ =	sdelay $0x1  }
0x5d: {  	s0 =	rddreg [dreg:$0x11];
	v3 =	vadd.s32 v1, v3  }
0x5e: {  	[tilespmem:s0], [sflag:$0x1] =	stream.indirect_vreg.gather [hbm4b:s1+s3], $0x80, v4, vm0, $0xb8;
	[tilespmem:$0x18100] =	vst v63  }
0x5f: {  	s8 =	rddreg [dreg:$0x12]  }
0x60: {  	[tilespmem:s8], [sflag:$0x1] =	stream.indirect_vreg.gather [hbm4b:s4+s3], $0x80, v4, vm0, $0xb8;
	[tilespmem:$0x18100] =	vst v63  }
0x61: {  	s0 =	rddreg [dreg:$0x13]  }
0x62: {  	[tilespmem:s0], [sflag:$0x1] =	stream.indirect_vreg.gather [hbm4b:s1+s3], $0x80, v3, vm0, $0xb8;
	[tilespmem:$0x18100] =	vst v63  }
0x63: {  	s8 =	rddreg [dreg:$0x14]  }
0x64: {  	[tilespmem:s8], [sflag:$0x1] =	stream.indirect_vreg.gather [hbm4b:s4+s3], $0x80, v3, vm0, $0xb8;
	[tilespmem:$0x18100] =	vst v63  }
0x65: {  	v3 =	vld [tilespmem:$0x40];
	_ =	sdelay $0x4  }
0x66: {  	v56 =	vshll.u32 v3, $0x2  }
0x67: {  	v3 =	vand.u32 $0x7, v3;
	v4 =	vand.u32 $0xFFFFFFE0, v56  }
0x68: {  	v3 =	vor.u32 v3, v4  }
0x69: {  	v4 =	vperm.xlane v3, v0;
	_ =	sdelay $0x1  }
0x6a: {  	v4 =	vadd.s32 v1, v4;
	_ =	sdelay $0x1  }
0x6b: {  	v3 =	vperm.xlane v3, v2;
	_ =	sdelay $0x1  }
0x6c: {  	s0 =	rddreg [dreg:$0x15];
	v3 =	vadd.s32 v1, v3  }
0x6d: {  	[tilespmem:s0], [sflag:$0x1] =	stream.indirect_vreg.gather [hbm4b:s1+s3], $0x80, v4, vm0, $0xb8;
	[tilespmem:$0x18100] =	vst v63  }
0x6e: {  	s8 =	rddreg [dreg:$0x16]  }
0x6f: {  	[tilespmem:s8], [sflag:$0x1] =	stream.indirect_vreg.gather [hbm4b:s4+s3], $0x80, v4, vm0, $0xb8;
	[tilespmem:$0x18100] =	vst v63  }
0x70: {  	s0 =	rddreg [dreg:$0x17]  }
0x71: {  	[tilespmem:s0], [sflag:$0x1] =	stream.indirect_vreg.gather [hbm4b:s1+s3], $0x80, v3, vm0, $0xb8;
	[tilespmem:$0x18100] =	vst v63  }
0x72: {  	s8 =	rddreg [dreg:$0x18]  }
0x73: {  	[tilespmem:s8], [sflag:$0x1] =	stream.indirect_vreg.gather [hbm4b:s4+s3], $0x80, v3, vm0, $0xb8;
	[tilespmem:$0x18100] =	vst v63  }
0x74: {  	v3 =	vld [tilespmem:$0x50];
	_ =	sdelay $0x4  }
0x75: {  	v57 =	vshll.u32 v3, $0x2  }
0x76: {  	v3 =	vand.u32 $0x7, v3;
	v4 =	vand.u32 $0xFFFFFFE0, v57  }
0x77: {  	v3 =	vor.u32 v3, v4  }
0x78: {  	v4 =	vperm.xlane v3, v0;
	_ =	sdelay $0x1  }
0x79: {  	v4 =	vadd.s32 v1, v4;
	_ =	sdelay $0x1  }
0x7a: {  	v3 =	vperm.xlane v3, v2;
	_ =	sdelay $0x1  }
0x7b: {  	s0 =	rddreg [dreg:$0x19];
	v3 =	vadd.s32 v1, v3  }
0x7c: {  	[tilespmem:s0], [sflag:$0x1] =	stream.indirect_vreg.gather [hbm4b:s1+s3], $0x80, v4, vm0, $0xb8;
	[tilespmem:$0x18100] =	vst v63  }
0x7d: {  	s8 =	rddreg [dreg:$0x1a]  }
0x7e: {  	[tilespmem:s8], [sflag:$0x1] =	stream.indirect_vreg.gather [hbm4b:s4+s3], $0x80, v4, vm0, $0xb8;
	[tilespmem:$0x18100] =	vst v63  }
0x7f: {  	s0 =	rddreg [dreg:$0x1b]  }
0x80: {  	[tilespmem:s0], [sflag:$0x1] =	stream.indirect_vreg.gather [hbm4b:s1+s3], $0x80, v3, vm0, $0xb8;
	[tilespmem:$0x18100] =	vst v63  }
0x81: {  	s8 =	rddreg [dreg:$0x1c]  }
0x82: {  	[tilespmem:s8], [sflag:$0x1] =	stream.indirect_vreg.gather [hbm4b:s4+s3], $0x80, v3, vm0, $0xb8;
	[tilespmem:$0x18100] =	vst v63  }
0x83: {  	v3 =	vld [tilespmem:$0x80];
	_ =	sdelay $0x4  }
0x84: {  	v58 =	vshll.u32 v3, $0x2  }
0x85: {  	v3 =	vand.u32 $0x7, v3;
	v4 =	vand.u32 $0xFFFFFFE0, v58  }
0x86: {  	v3 =	vor.u32 v3, v4  }
0x87: {  	v4 =	vperm.xlane v3, v0;
	_ =	sdelay $0x1  }
0x88: {  	v4 =	vadd.s32 v1, v4;
	_ =	sdelay $0x1  }
0x89: {  	v3 =	vperm.xlane v3, v2;
	_ =	sdelay $0x1  }
0x8a: {  	s8 =	rddreg [dreg:$0x1d];
	v3 =	vadd.s32 v1, v3  }
0x8b: {  	[tilespmem:s8], [sflag:$0x1] =	stream.indirect_vreg.gather [hbm4b:s1+s3], $0x80, v4, vm0, $0xb8;
	[tilespmem:$0x18100] =	vst v63  }
0x8c: {  	s8 =	simm.s32 $0xC900  }
0x8d: {  	[tilespmem:s8], [sflag:$0x1] =	stream.indirect_vreg.gather [hbm4b:s4+s3], $0x80, v4, vm0, $0xb8;
	[tilespmem:$0x18100] =	vst v63  }
0x8e: {  	_ = 	snop  }
0x8f: {  	[tilespmem:s9], [sflag:$0x1] =	stream.indirect_vreg.gather [hbm4b:s1+s3], $0x80, v3, vm0, $0xb8;
	[tilespmem:$0x18100] =	vst v63  }
0x90: {  	_ = 	snop  }
0x91: {  	[tilespmem:s10], [sflag:$0x1] =	stream.indirect_vreg.gather [hbm4b:s4+s3], $0x80, v3, vm0, $0xb8;
	[tilespmem:$0x18100] =	vst v63  }
0x92: {  	v3 =	vld [tilespmem:$0x90];
	_ =	sdelay $0x4  }
0x93: {  	v59 =	vshll.u32 v3, $0x2  }
0x94: {  	v3 =	vand.u32 $0x7, v3;
	v4 =	vand.u32 $0xFFFFFFE0, v59  }
0x95: {  	v3 =	vor.u32 v3, v4  }
0x96: {  	v4 =	vperm.xlane v3, v0;
	_ =	sdelay $0x1  }
0x97: {  	v4 =	vadd.s32 v1, v4;
	_ =	sdelay $0x1  }
0x98: {  	v3 =	vperm.xlane v3, v2;
	_ =	sdelay $0x1  }
0x99: {  	v3 =	vadd.s32 v1, v3  }
0x9a: {  	[tilespmem:s11], [sflag:$0x1] =	stream.indirect_vreg.gather [hbm4b:s1+s3], $0x80, v4, vm0, $0xb8;
	[tilespmem:$0x18100] =	vst v63  }
0x9b: {  	_ = 	snop  }
0x9c: {  	[tilespmem:s12], [sflag:$0x1] =	stream.indirect_vreg.gather [hbm4b:s4+s3], $0x80, v4, vm0, $0xb8;
	[tilespmem:$0x18100] =	vst v63  }
0x9d: {  	_ = 	snop  }
0x9e: {  	[tilespmem:s13], [sflag:$0x1] =	stream.indirect_vreg.gather [hbm4b:s1+s3], $0x80, v3, vm0, $0xb8;
	[tilespmem:$0x18100] =	vst v63  }
0x9f: {  	_ = 	snop  }
0xa0: {  	[tilespmem:s14], [sflag:$0x1] =	stream.indirect_vreg.gather [hbm4b:s4+s3], $0x80, v3, vm0, $0xb8;
	[tilespmem:$0x18100] =	vst v63  }
0xa1: {  	v3 =	vld [tilespmem:$0xA0];
	_ =	sdelay $0x4  }
0xa2: {  	v60 =	vshll.u32 v3, $0x2  }
0xa3: {  	v3 =	vand.u32 $0x7, v3;
	v4 =	vand.u32 $0xFFFFFFE0, v60  }
0xa4: {  	v3 =	vor.u32 v3, v4  }
0xa5: {  	v4 =	vperm.xlane v3, v0;
	_ =	sdelay $0x1  }
0xa6: {  	v4 =	vadd.s32 v1, v4;
	_ =	sdelay $0x1  }
0xa7: {  	v3 =	vperm.xlane v3, v2;
	_ =	sdelay $0x1  }
0xa8: {  	v3 =	vadd.s32 v1, v3  }
0xa9: {  	[tilespmem:s15], [sflag:$0x1] =	stream.indirect_vreg.gather [hbm4b:s1+s3], $0x80, v4, vm0, $0xb8;
	[tilespmem:$0x18100] =	vst v63  }
0xaa: {  	_ = 	snop  }
0xab: {  	[tilespmem:s16], [sflag:$0x1] =	stream.indirect_vreg.gather [hbm4b:s4+s3], $0x80, v4, vm0, $0xb8;
	[tilespmem:$0x18100] =	vst v63  }
0xac: {  	_ = 	snop  }
0xad: {  	[tilespmem:s17], [sflag:$0x1] =	stream.indirect_vreg.gather [hbm4b:s1+s3], $0x80, v3, vm0, $0xb8;
	[tilespmem:$0x18100] =	vst v63  }
0xae: {  	_ = 	snop  }
0xaf: {  	[tilespmem:s18], [sflag:$0x1] =	stream.indirect_vreg.gather [hbm4b:s4+s3], $0x80, v3, vm0, $0xb8;
	[tilespmem:$0x18100] =	vst v63  }
0xb0: {  	v3 =	vld [tilespmem:$0xB0];
	_ =	sdelay $0x4  }
0xb1: {  	v61 =	vshll.u32 v3, $0x2  }
0xb2: {  	v3 =	vand.u32 $0x7, v3;
	v4 =	vand.u32 $0xFFFFFFE0, v61  }
0xb3: {  	v3 =	vor.u32 v3, v4  }
0xb4: {  	v4 =	vperm.xlane v3, v0;
	_ =	sdelay $0x1  }
0xb5: {  	v4 =	vadd.s32 v1, v4;
	_ =	sdelay $0x1  }
0xb6: {  	v3 =	vperm.xlane v3, v2;
	_ =	sdelay $0x1  }
0xb7: {  	v3 =	vadd.s32 v1, v3  }
0xb8: {  	[tilespmem:s19], [sflag:$0x1] =	stream.indirect_vreg.gather [hbm4b:s1+s3], $0x80, v4, vm0, $0xb8;
	[tilespmem:$0x18100] =	vst v63  }
0xb9: {  	_ = 	snop  }
0xba: {  	[tilespmem:s20], [sflag:$0x1] =	stream.indirect_vreg.gather [hbm4b:s4+s3], $0x80, v4, vm0, $0xb8;
	[tilespmem:$0x18100] =	vst v63  }
0xbb: {  	_ = 	snop  }
0xbc: {  	[tilespmem:s21], [sflag:$0x1] =	stream.indirect_vreg.gather [hbm4b:s1+s3], $0x80, v3, vm0, $0xb8;
	[tilespmem:$0x18100] =	vst v63  }
0xbd: {  	_ = 	snop  }
0xbe: {  	[tilespmem:s22], [sflag:$0x1] =	stream.indirect_vreg.gather [hbm4b:s4+s3], $0x80, v3, vm0, $0xb8;
	[tilespmem:$0x18100] =	vst v63  }
0xbf: {  	v3 =	vld [tilespmem:$0xC0];
	_ =	sdelay $0x4  }
0xc0: {  	v62 =	vshll.u32 v3, $0x2  }
0xc1: {  	v3 =	vand.u32 $0x7, v3;
	v4 =	vand.u32 $0xFFFFFFE0, v62  }
0xc2: {  	v3 =	vor.u32 v3, v4  }
0xc3: {  	v4 =	vperm.xlane v3, v0;
	_ =	sdelay $0x1  }
0xc4: {  	v4 =	vadd.s32 v1, v4;
	_ =	sdelay $0x1  }
0xc5: {  	v3 =	vperm.xlane v3, v2;
	_ =	sdelay $0x1  }
0xc6: {  	v3 =	vadd.s32 v1, v3  }
0xc7: {  	[tilespmem:s23], [sflag:$0x1] =	stream.indirect_vreg.gather [hbm4b:s1+s3], $0x80, v4, vm0, $0xb8;
	[tilespmem:$0x18100] =	vst v63  }
0xc8: {  	_ = 	snop  }
0xc9: {  	[tilespmem:s24], [sflag:$0x1] =	stream.indirect_vreg.gather [hbm4b:s4+s3], $0x80, v4, vm0, $0xb8;
	[tilespmem:$0x18100] =	vst v63  }
0xca: {  	_ = 	snop  }
0xcb: {  	[tilespmem:s25], [sflag:$0x1] =	stream.indirect_vreg.gather [hbm4b:s1+s3], $0x80, v3, vm0, $0xb8;
	[tilespmem:$0x18100] =	vst v63  }
0xcc: {  	_ = 	snop  }
0xcd: {  	[tilespmem:s26], [sflag:$0x1] =	stream.indirect_vreg.gather [hbm4b:s4+s3], $0x80, v3, vm0, $0xb8;
	[tilespmem:$0x18100] =	vst v63  }
0xce: {  	v3 =	vld [tilespmem:$0xD0];
	_ =	sdelay $0x4  }
0xcf: {  	v63 =	vshll.u32 v3, $0x2  }
0xd0: {  	v3 =	vand.u32 $0x7, v3;
	v4 =	vand.u32 $0xFFFFFFE0, v63  }
0xd1: {  	v3 =	vor.u32 v3, v4  }
0xd2: {  	v4 =	vperm.xlane v3, v0;
	_ =	sdelay $0x1  }
0xd3: {  	v4 =	vadd.s32 v1, v4;
	_ =	sdelay $0x1  }
0xd4: {  	v3 =	vperm.xlane v3, v2;
	_ =	sdelay $0x1  }
0xd5: {  	v3 =	vadd.s32 v1, v3  }
0xd6: {  	[tilespmem:s28], [sflag:$0x1] =	stream.indirect_vreg.gather [hbm4b:s1+s3], $0x80, v4, vm0, $0xb8;
	[tilespmem:$0x18100] =	vst v63  }
0xd7: {  	_ = 	snop  }
0xd8: {  	[tilespmem:s29], [sflag:$0x1] =	stream.indirect_vreg.gather [hbm4b:s4+s3], $0x80, v4, vm0, $0xb8;
	[tilespmem:$0x18100] =	vst v63  }
0xd9: {  	_ = 	snop  }
0xda: {  	[tilespmem:s30], [sflag:$0x1] =	stream.indirect_vreg.gather [hbm4b:s1+s3], $0x80, v3, vm0, $0xb8;
	[tilespmem:$0x18100] =	vst v63  }
0xdb: {  	_ = 	snop  }
0xdc: {  	[tilespmem:s31], [sflag:$0x1] =	stream.indirect_vreg.gather [hbm4b:s4+s3], $0x80, v3, vm0, $0xb8;
	[tilespmem:$0x18100] =	vst v63  }
0xdd: {  	_ =	swait.ge [sflag:s2], $0xC000  }
0xde: {  	[sflag:s2] =	ssyncset.done $0x0  }
0xdf: {  	[sflag:s2] =	ssyncadd.s32 $0xFFFF4000  }
0xe0: {  	_ =	swait.ge [sflag:s2], $0xC000  }
0xe1: {  	p0 =	sne.s32 s5, $0x1;
	[sflag:s2] =	ssyncset.done $0x0  }
.Ltmp0:
0xe2: {  	s8 =	rddreg [dreg:$0x5];
	[sflag:s2] =	ssyncadd.s32 $0xFFFF4000;
	(pc) =	sbr.rel @p0 .LBB2_1-.Ltmp0, $4  }
0xe3: {  	[hbm4b:s8+s3] =	stream.linear.scatter [tilespmem:s7], [sflag:$0x2], $0x18000, $0x38;
	[tilespmem:$0x18100] =	vst v63  }
0xe4: {  	_ =	swait.ge [sflag:s6], $0x18000  }
0xe5: {  	[sflag:s6] =	ssyncset.done $0x0  }
0xe6: {  	s5 =	sadd.s32 $0xFFFFFFFF, s5;
	[sflag:s6] =	ssyncadd.s32 $0xFFFE8000  }
0xe7: {  	_ =	sfence.sel $0x180000  }
0xe8: {  	[bflag:$0x0] =	sbarrier.arrive $0xFFFF  }
0xe9: {  	_ =	strace $0x90000047  }
0xea: {  	s0 =	stileid.u32;
	[bflag:$0x2] =	sbarrier.arrive $0xFFFF  }
0xeb: {  	p0 =	sne.s32 s0, $0x0;
	s0 =	rddreg [dreg:$0x3]  }
0xec: {  	s0 =	sadd.s32 @!p0 $0x100000, s0  }
0xed: {  	[sflag:s0] =	ssyncadd.tile.s32 @!p0 $0x1;
	_ =	shalt  }
.Lfunc_end2:
_tile_overlayer_lowered:
.L_overlay_start_2:
0xee: {  	(tag) =	ssettag $0x2  }
0xef: {  	s0 =	rddreg [dreg:$0x0];
	s2 =	stileid.u32  }
0xf0: {  	s1 =	rddreg [dreg:$0x1];
	p0 =	sne.s32 s2, $0x0  }
0xf1: {  	s3 =	rddreg [dreg:$0x2];
	[bflag:$0x3] =	sbarrier.arrive $0xFFFF;
	s2 =	simm.s32 @!p0 $0x1C02  }
0xf2: {  	[timem:s3], [sflag:s2] =	dma.local @!p0 [hbm:s0], s1  }
0xf3: {  	s0 =	simm.s32 @!p0 $0x2  }
0xf4: {  	_ =	swait.ge @!p0 [sflag:s0], s1  }
0xf5: {  	s1 =	ssub.s32 @!p0 $0x0, s1;
	[sflag:s0] =	ssyncset.done @!p0 $0x0  }
0xf6: {  	[sflag:s0] =	ssyncadd.s32 @!p0 s1  }
0xf7: {  	[bflag:$0x3] =	sbarrier.arrive $0xFFFF  }
0xf8: {  	_ =	shalt  }

</sc_bundles>
